<compile_context>
chip_gen: v7x
topology: tpu7x:2x2x1
jax: 0.10.2.dev20260603
libtpu: 0.0.44.dev20260713+nightly
codegen_flags: <defaults>
</compile_context>

<pallas_src>
import functools

import jax
import jax.numpy as jnp
from jax import lax
from jax.experimental import pallas as pl
from jax.experimental.pallas import tpu as pltpu
from jax.experimental.pallas import tpu_sc as plsc

N = 1024
M = 1024
D = 128
B = 4096

UL = 3072
UH = B - UL

NC = 1
NS = 16
NW = NC * NS
BPW = UL // NW

RB_A = 256
RB_B = 512
GRID_A = UH // RB_A
GRID_B = UL // RB_B


@functools.cache
def _sc_gather_ulo():
    mesh = plsc.VectorSubcoreMesh(
        core_axis_name="c", subcore_axis_name="s",
        num_cores=NC, num_subcores=NS)

    @functools.partial(
        pl.kernel,
        mesh=mesh,
        out_type=jax.ShapeDtypeStruct((UL, D), jnp.float32),
        scratch_types=[
            pltpu.VMEM((BPW,), jnp.int32),
            pltpu.VMEM((BPW, D), jnp.float32),
            pltpu.SemaphoreType.DMA,
            pltpu.SemaphoreType.DMA,
        ],
    )
    def gather(user_hbm, uid_hbm, u_out, uidx_v, urows_v, sem_a, sem_b):
        wid = lax.axis_index("s") * NC + lax.axis_index("c")
        base = wid * BPW
        pltpu.async_copy(uid_hbm.at[pl.ds(base, BPW)], uidx_v, sem_a).wait()
        pltpu.async_copy(user_hbm.at[uidx_v], urows_v, sem_b).wait()
        pltpu.async_copy(urows_v, u_out.at[pl.ds(base, BPW)], sem_a).wait()

    return gather


def _bottom_body(ut_ref, it_ref, uid_ref, iid_ref, big_ref, vb_out_ref,
                 oh_ref, vb_ref, uhb_ref):
    i = pl.program_id(0)

    @pl.when(i == 0)
    def _():
        iota_i = lax.broadcasted_iota(jnp.int32, (M, B), 0)
        oh_ref[...] = jnp.where(
            iota_i == iid_ref[...], 1.0, 0.0).astype(jnp.bfloat16)
        vb_ref[...] = lax.dot_general(
            oh_ref[...], it_ref[...].astype(jnp.bfloat16),
            (((0,), (0,)), ((), ())),
            preferred_element_type=jnp.float32).astype(jnp.bfloat16)
        iota_u = lax.broadcasted_iota(jnp.int32, (N, UH), 0)
        oh_u = jnp.where(
            iota_u == uid_ref[pl.ds(UL, UH)], 1.0, 0.0).astype(jnp.bfloat16)
        uhb_ref[...] = lax.dot_general(
            oh_u, ut_ref[...].astype(jnp.bfloat16), (((0,), (0,)), ((), ())),
            preferred_element_type=jnp.float32).astype(jnp.bfloat16)

    big_ref[...] = lax.dot_general(
        uhb_ref[pl.ds(i * RB_A, RB_A), :], vb_ref[...], (((1,), (1,)), ((), ())),
        preferred_element_type=jnp.float32)
    vb_out_ref[...] = vb_ref[pl.ds(i * (B // GRID_A), B // GRID_A), :]


@functools.cache
def _tc_bottom():
    return pl.pallas_call(
        _bottom_body,
        grid=(GRID_A,),
        in_specs=[pl.BlockSpec((N, D), lambda i: (0, 0)),
                  pl.BlockSpec((M, D), lambda i: (0, 0)),
                  pl.BlockSpec((B,), lambda i: (0,)),
                  pl.BlockSpec((B,), lambda i: (0,))],
        out_specs=[pl.BlockSpec((RB_A, B), lambda i: (UL // RB_A + i, 0)),
                   pl.BlockSpec((B // GRID_A, D), lambda i: (i, 0))],
        out_shape=[jax.ShapeDtypeStruct((B, B), jnp.float32),
                   jax.ShapeDtypeStruct((B, D), jnp.bfloat16)],
        scratch_shapes=[pltpu.VMEM((M, B), jnp.bfloat16),
                        pltpu.VMEM((B, D), jnp.bfloat16),
                        pltpu.VMEM((UH, D), jnp.bfloat16)],
    )


def _top_body(ulo_ref, vb_ref, big_ref, o_ref):
    o_ref[...] = lax.dot_general(
        ulo_ref[...].astype(jnp.bfloat16), vb_ref[...],
        (((1,), (1,)), ((), ())),
        preferred_element_type=jnp.float32)


@functools.cache
def _tc_top():
    return pl.pallas_call(
        _top_body,
        grid=(GRID_B,),
        in_specs=[pl.BlockSpec((RB_B, D), lambda i: (i, 0)),
                  pl.BlockSpec((B, D), lambda i: (0, 0)),
                  pl.BlockSpec(memory_space=pl.ANY)],
        out_specs=pl.BlockSpec((RB_B, B), lambda i: (i, 0)),
        out_shape=jax.ShapeDtypeStruct((B, B), jnp.float32),
        input_output_aliases={2: 0},
    )


def kernel(user_table, item_table, user_ids, item_ids):
    big, vb = _tc_bottom()(user_table, item_table, user_ids, item_ids)
    u_lo = _sc_gather_ulo()(user_table, user_ids)
    return _tc_top()(u_lo, vb, big)

# --- scband reference (transcript-rebuilt; emitter-appended) ---
"""Pipeline reference for scband-mfmodel-light-12781822673307 (READ-ONLY COPY).

The authoritative reference and input builder live on the scoring server;
editing this copy changes nothing except your own understanding.
"""

import jax, jax.numpy as jnp
import numpy as np

N = 1024  # number of users (>= max index 999)
M = 1024  # number of items
D = 128   # hidden_dim
B = 4096  # batch of user_ids / item_ids


def setup_inputs(seed: int = 0) -> dict:
    key = jax.random.key(seed)
    k1, k2, k3, k4 = jax.random.split(key, 4)
    # Embedding tables, matching np.random.random init (uniform [0,1))
    user_table = jax.random.uniform(k1, (N, D), dtype=jnp.float32)
    item_table = jax.random.uniform(k2, (M, D), dtype=jnp.float32)
    user_ids = jax.random.randint(k3, (B,), 0, 1000, dtype=jnp.int32)
    item_ids = jax.random.randint(k4, (B,), 0, 1000, dtype=jnp.int32)
    return {
        "user_table": user_table,
        "item_table": item_table,
        "user_ids": user_ids,
        "item_ids": item_ids,
    }


def reference(user_table, item_table, user_ids, item_ids):
    # Gather user/item hidden vectors (embedding lookup), mode='user'.
    u = jnp.take(user_table, user_ids, axis=0)   # [B, D]
    v = jnp.take(item_table, item_ids, axis=0)   # [B, D]
    # out = U @ V^T, the matrix-factorization score matrix
    return jnp.matmul(u, v.T)                    # [B, B]

if __name__ == "__main__":
    import jax
    _d = setup_inputs()
    print(jax.jit(kernel)(*tuple(_d.values())))

</pallas_src>

<mosaic_0001>
#map = affine_map<(d0, d1) -> (0, 0)>
#map1 = affine_map<(d0, d1) -> (0)>
module attributes {stable_mosaic.version = 14 : i64} {
  func.func @gather(%arg0: i32, %arg1: i32, %arg2: memref<1024x128xf32, #tpu.memory_space<hbm>>, %arg3: memref<4096xi32, #tpu.memory_space<hbm>>, %arg4: memref<3072x128xf32, #tpu.memory_space<hbm>>, %arg5: memref<192xi32, #tpu.memory_space<vmem>>, %arg6: memref<192x128xf32, #tpu.memory_space<vmem>>, %arg7: memref<!tpu.dma_semaphore, #tpu.memory_space<semaphore_mem>>, %arg8: memref<!tpu.dma_semaphore, #tpu.memory_space<semaphore_mem>>) attributes {dimension_semantics = [#tpu.dimension_semantics<core_parallel>, #tpu.dimension_semantics<subcore_parallel>], iteration_bounds = array<i64: 1, 16>, scalar_prefetch = 0 : i64, scratch_operands = 4 : i64, tpu.core_type = #tpu.core_type<sc_vector_subcore>, window_params = [{transform_indices = #map}, {transform_indices = #map1}, {transform_indices = #map}]} {
    %mul3A = arith.constant 1 : i32
    %mul3A_0 = arith.muli %arg1, %mul3A : i32
    %add3A = arith.addi %mul3A_0, %arg0 : i32
    %mul3A_1 = arith.constant 192 : i32
    %mul3A_2 = arith.muli %add3A, %mul3A_1 : i32
    %dma_start3A = tpu.memref_slice %arg3[%mul3A_2] : memref<4096xi32, #tpu.memory_space<hbm>> -> memref<192xi32, #tpu.memory_space<hbm>>
    %dma_start3A_3 = tpu.memref_slice %arg3[%mul3A_2] : memref<4096xi32, #tpu.memory_space<hbm>> -> memref<192xi32, #tpu.memory_space<hbm>>
    tpu.enqueue_dma source(%dma_start3A_3 : memref<192xi32, #tpu.memory_space<hbm>>) target(%arg5 : memref<192xi32, #tpu.memory_space<vmem>>) target_semaphore(%arg7 : memref<!tpu.dma_semaphore, #tpu.memory_space<semaphore_mem>>)
    %dma_wait3A = tpu.memref_slice %arg3[%mul3A_2] : memref<4096xi32, #tpu.memory_space<hbm>> -> memref<192xi32, #tpu.memory_space<hbm>>
    %dma_wait3A_4 = tpu.memref_slice %arg3[%mul3A_2] : memref<4096xi32, #tpu.memory_space<hbm>> -> memref<192xi32, #tpu.memory_space<hbm>>
    tpu.wait_dma2 semaphore(%arg7 : memref<!tpu.dma_semaphore, #tpu.memory_space<semaphore_mem>>) src(%dma_wait3A_4 : memref<192xi32, #tpu.memory_space<hbm>>) dst(%arg5 : memref<192xi32, #tpu.memory_space<vmem>>)
    %dma_start3A_5 = arith.constant 0 : i32
    %dma_start3A_6 = arith.constant 0 : i32
    %dma_start3A_7 = tpu.memref_slice %arg2[%dma_start3A_5, %dma_start3A_6] : memref<1024x128xf32, #tpu.memory_space<hbm>> -> memref<1024x128xf32, #tpu.memory_space<hbm>>
    tpu.enqueue_indirect_dma source(%dma_start3A_7 : memref<1024x128xf32, #tpu.memory_space<hbm>>) target(%arg6 : memref<192x128xf32, #tpu.memory_space<vmem>>) offsets(%arg5 : memref<192xi32, #tpu.memory_space<vmem>>) semaphore(%arg8 : memref<!tpu.dma_semaphore, #tpu.memory_space<semaphore_mem>>)
    %dma_wait3A_8 = arith.constant 0 : i32
    %dma_wait3A_9 = arith.constant 0 : i32
    %dma_wait3A_10 = tpu.memref_slice %arg2[%dma_wait3A_8, %dma_wait3A_9] : memref<1024x128xf32, #tpu.memory_space<hbm>> -> memref<1024x128xf32, #tpu.memory_space<hbm>>
    tpu.wait_indirect_dma semaphore(%arg8 : memref<!tpu.dma_semaphore, #tpu.memory_space<semaphore_mem>>) src(%dma_wait3A_10 : memref<1024x128xf32, #tpu.memory_space<hbm>>) dst(%arg6 : memref<192x128xf32, #tpu.memory_space<vmem>>)
    %dma_start3A_11 = arith.constant 0 : i32
    %dma_start3A_12 = tpu.memref_slice %arg4[%mul3A_2, %dma_start3A_11] : memref<3072x128xf32, #tpu.memory_space<hbm>> -> memref<192x128xf32, #tpu.memory_space<hbm>>
    %dma_start3A_13 = arith.constant 0 : i32
    %dma_start3A_14 = tpu.memref_slice %arg4[%mul3A_2, %dma_start3A_13] : memref<3072x128xf32, #tpu.memory_space<hbm>> -> memref<192x128xf32, #tpu.memory_space<hbm>>
    tpu.enqueue_dma source(%arg6 : memref<192x128xf32, #tpu.memory_space<vmem>>) target(%dma_start3A_14 : memref<192x128xf32, #tpu.memory_space<hbm>>) target_semaphore(%arg7 : memref<!tpu.dma_semaphore, #tpu.memory_space<semaphore_mem>>)
    %dma_wait3A_15 = arith.constant 0 : i32
    %dma_wait3A_16 = tpu.memref_slice %arg4[%mul3A_2, %dma_wait3A_15] : memref<3072x128xf32, #tpu.memory_space<hbm>> -> memref<192x128xf32, #tpu.memory_space<hbm>>
    %dma_wait3A_17 = arith.constant 0 : i32
    %dma_wait3A_18 = tpu.memref_slice %arg4[%mul3A_2, %dma_wait3A_17] : memref<3072x128xf32, #tpu.memory_space<hbm>> -> memref<192x128xf32, #tpu.memory_space<hbm>>
    tpu.wait_dma2 semaphore(%arg7 : memref<!tpu.dma_semaphore, #tpu.memory_space<semaphore_mem>>) src(%arg6 : memref<192x128xf32, #tpu.memory_space<vmem>>) dst(%dma_wait3A_18 : memref<192x128xf32, #tpu.memory_space<hbm>>)
    return
  }
}

module attributes {stable_mosaic.version = 14 : i64} {
  func.func @_top_body(%arg0: i32, %arg1: memref<512x128xf32, #tpu.memory_space<vmem>>, %arg2: memref<4096x128xbf16, #tpu.memory_space<vmem>>, %arg3: memref<4096x4096xf32, #tpu.memory_space<any>>, %arg4: memref<512x4096xf32, #tpu.memory_space<vmem>>) attributes {dimension_semantics = [#tpu.dimension_semantics<arbitrary>], iteration_bounds = array<i64: 6>, scalar_prefetch = 0 : i64, scratch_operands = 0 : i64, tpu.core_type = #tpu.core_type<tc>, window_params = [{transform_indices = @transform_0, window_bounds = array<i64: 512, 128>}, {pipeline_mode = #tpu.pipeline_mode<synchronous>, transform_indices = @transform_1, window_bounds = array<i64: 4096, 128>}, {}, {transform_indices = @transform_3, window_bounds = array<i64: 512, 4096>}]} {
    %get3A = arith.constant 0 : index
    %get3A_0 = arith.constant 0 : index
    %get3A_1 = vector.load %arg1[%get3A, %get3A_0] : memref<512x128xf32, #tpu.memory_space<vmem>>, vector<512x128xf32>
    %convert_element_type3A = arith.truncf %get3A_1 : vector<512x128xf32> to vector<512x128xbf16>
    %get3A_2 = arith.constant 0 : index
    %get3A_3 = arith.constant 0 : index
    %get3A_4 = vector.load %arg2[%get3A_2, %get3A_3] : memref<4096x128xbf16, #tpu.memory_space<vmem>>, vector<4096x128xbf16>
    %dot_general3A = arith.constant dense<0.000000e+00> : vector<512x4096xf32>
    %dot_general3A_5 = tpu.matmul %convert_element_type3A, %get3A_4, %dot_general3A {dimension_numbers = #tpu.dot_dimension_numbers<[1], [1], [0], [0], [0, 0, 1, 0], [], []>, transpose_lhs_hint = false} : vector<512x128xbf16>, vector<4096x128xbf16>, vector<512x4096xf32> -> vector<512x4096xf32>
    %swap3A = arith.constant 0 : index
    %swap3A_6 = arith.constant 0 : index
    %swap3A_7 = vector.load %arg4[%swap3A, %swap3A_6] : memref<512x4096xf32, #tpu.memory_space<vmem>>, vector<512x4096xf32>
    tpu.vector_store %arg4[%swap3A, %swap3A_6], %dot_general3A_5 {strides = array<i32>} : memref<512x4096xf32, #tpu.memory_space<vmem>>, vector<512x4096xf32>,
    return
  }
  func.func @transform_0(%arg0: i32) -> (i32, i32) {
    %c0_i32 = arith.constant 0 : i32
    %c0_i32_0 = arith.constant 0 : i32
    return %arg0, %c0_i32 : i32, i32
  }
  func.func @transform_1(%arg0: i32) -> (i32, i32) {
    %c0_i32 = arith.constant 0 : i32
    %c0_i32_0 = arith.constant 0 : i32
    %c0_i32_1 = arith.constant 0 : i32
    return %c0_i32, %c0_i32_0 : i32, i32
  }
  func.func @transform_3(%arg0: i32) -> (i32, i32) {
    %c0_i32 = arith.constant 0 : i32
    %c0_i32_0 = arith.constant 0 : i32
    return %arg0, %c0_i32 : i32, i32
  }
}

module attributes {stable_mosaic.version = 14 : i64} {
  func.func @_bottom_body(%arg0: i32, %arg1: memref<1024x128xf32, #tpu.memory_space<vmem>>, %arg2: memref<1024x128xf32, #tpu.memory_space<vmem>>, %arg3: memref<4096xi32, #tpu.memory_space<vmem>>, %arg4: memref<4096xi32, #tpu.memory_space<vmem>>, %arg5: memref<256x4096xf32, #tpu.memory_space<vmem>>, %arg6: memref<1024x128xbf16, #tpu.memory_space<vmem>>, %arg7: memref<1024x4096xbf16, #tpu.memory_space<vmem>>, %arg8: memref<4096x128xbf16, #tpu.memory_space<vmem>>, %arg9: memref<1024x128xbf16, #tpu.memory_space<vmem>>) attributes {dimension_semantics = [#tpu.dimension_semantics<arbitrary>], iteration_bounds = array<i64: 4>, scalar_prefetch = 0 : i64, scratch_operands = 3 : i64, tpu.core_type = #tpu.core_type<tc>, window_params = [{pipeline_mode = #tpu.pipeline_mode<synchronous>, transform_indices = @transform_0, window_bounds = array<i64: 1024, 128>}, {pipeline_mode = #tpu.pipeline_mode<synchronous>, transform_indices = @transform_1, window_bounds = array<i64: 1024, 128>}, {pipeline_mode = #tpu.pipeline_mode<synchronous>, transform_indices = @transform_2, window_bounds = array<i64: 4096>}, {pipeline_mode = #tpu.pipeline_mode<synchronous>, transform_indices = @transform_3, window_bounds = array<i64: 4096>}, {transform_indices = @transform_4, window_bounds = array<i64: 256, 4096>}, {transform_indices = @transform_5, window_bounds = array<i64: 1024, 128>}]} {
    %eq3A = arith.constant 0 : i32
    %eq3A_0 = arith.cmpi eq, %arg0, %eq3A : i32
    %convert_element_type3A = arith.extui %eq3A_0 : i1 to i32
    %cond3A = arith.constant 0 : i32
    %cond3A_1 = arith.cmpi ne, %convert_element_type3A, %cond3A : i32
    scf.if %cond3A_1 {
      %iota3A = tpu.iota {dimensions = array<i32: 0>} : vector<1024x4096xi32>
      %get3A_19 = arith.constant 0 : index
      %get3A_20 = vector.load %arg4[%get3A_19] : memref<4096xi32, #tpu.memory_space<vmem>>, vector<4096xi32>
      %broadcast_in_dim3A = vector.shape_cast %get3A_20 : vector<4096xi32> to vector<1x4096xi32>
      %eq3A_21 = vector.broadcast %broadcast_in_dim3A : vector<1x4096xi32> to vector<1024x4096xi32>
      %eq3A_22 = arith.cmpi eq, %iota3A, %eq3A_21 : vector<1024x4096xi32>
      %jit3A = arith.constant 1.000000e+00 : f32
      %jit3A_23 = arith.constant 0.000000e+00 : f32
      %broadcast_in_dim3A_24 = vector.broadcast %jit3A : f32 to vector<1024x4096xf32>
      %broadcast_in_dim3A_25 = vector.broadcast %jit3A_23 : f32 to vector<1024x4096xf32>
      %select_n3A = arith.select %eq3A_22, %broadcast_in_dim3A_24, %broadcast_in_dim3A_25 : vector<1024x4096xi1>, vector<1024x4096xf32>
      %convert_element_type3A_26 = arith.truncf %select_n3A : vector<1024x4096xf32> to vector<1024x4096xbf16>
      %swap3A_27 = arith.constant 0 : index
      %swap3A_28 = arith.constant 0 : index
      %swap3A_29 = vector.load %arg7[%swap3A_27, %swap3A_28] : memref<1024x4096xbf16, #tpu.memory_space<vmem>>, vector<1024x4096xbf16>
      tpu.vector_store %arg7[%swap3A_27, %swap3A_28], %convert_element_type3A_26 {strides = array<i32>} : memref<1024x4096xbf16, #tpu.memory_space<vmem>>, vector<1024x4096xbf16>,
      %get3A_30 = arith.constant 0 : index
      %get3A_31 = arith.constant 0 : index
      %get3A_32 = vector.load %arg7[%get3A_30, %get3A_31] : memref<1024x4096xbf16, #tpu.memory_space<vmem>>, vector<1024x4096xbf16>
      %get3A_33 = arith.constant 0 : index
      %get3A_34 = arith.constant 0 : index
      %get3A_35 = vector.load %arg2[%get3A_33, %get3A_34] : memref<1024x128xf32, #tpu.memory_space<vmem>>, vector<1024x128xf32>
      %convert_element_type3A_36 = arith.truncf %get3A_35 : vector<1024x128xf32> to vector<1024x128xbf16>
      %dot_general3A_37 = arith.constant dense<0.000000e+00> : vector<4096x128xf32>
      %dot_general3A_38 = tpu.matmul %get3A_32, %convert_element_type3A_36, %dot_general3A_37 {dimension_numbers = #tpu.dot_dimension_numbers<[0], [0], [1], [1], [0, 1, 1, 1], [], []>, transpose_lhs_hint = false} : vector<1024x4096xbf16>, vector<1024x128xbf16>, vector<4096x128xf32> -> vector<4096x128xf32>
      %convert_element_type3A_39 = arith.truncf %dot_general3A_38 : vector<4096x128xf32> to vector<4096x128xbf16>
      %swap3A_40 = arith.constant 0 : index
      %swap3A_41 = arith.constant 0 : index
      %swap3A_42 = vector.load %arg8[%swap3A_40, %swap3A_41] : memref<4096x128xbf16, #tpu.memory_space<vmem>>, vector<4096x128xbf16>
      tpu.vector_store %arg8[%swap3A_40, %swap3A_41], %convert_element_type3A_39 {strides = array<i32>} : memref<4096x128xbf16, #tpu.memory_space<vmem>>, vector<4096x128xbf16>,
      %iota3A_43 = tpu.iota {dimensions = array<i32: 0>} : vector<1024x1024xi32>
      %get3A_44 = arith.constant 3072 : index
      %get3A_45 = vector.load %arg3[%get3A_44] : memref<4096xi32, #tpu.memory_space<vmem>>, vector<1024xi32>
      %broadcast_in_dim3A_46 = vector.shape_cast %get3A_45 : vector<1024xi32> to vector<1x1024xi32>
      %eq3A_47 = vector.broadcast %broadcast_in_dim3A_46 : vector<1x1024xi32> to vector<1024x1024xi32>
      %eq3A_48 = arith.cmpi eq, %iota3A_43, %eq3A_47 : vector<1024x1024xi32>
      %jit3A_49 = arith.constant 1.000000e+00 : f32
      %jit3A_50 = arith.constant 0.000000e+00 : f32
      %broadcast_in_dim3A_51 = vector.broadcast %jit3A_49 : f32 to vector<1024x1024xf32>
      %broadcast_in_dim3A_52 = vector.broadcast %jit3A_50 : f32 to vector<1024x1024xf32>
      %select_n3A_53 = arith.select %eq3A_48, %broadcast_in_dim3A_51, %broadcast_in_dim3A_52 : vector<1024x1024xi1>, vector<1024x1024xf32>
      %convert_element_type3A_54 = arith.truncf %select_n3A_53 : vector<1024x1024xf32> to vector<1024x1024xbf16>
      %get3A_55 = arith.constant 0 : index
      %get3A_56 = arith.constant 0 : index
      %get3A_57 = vector.load %arg1[%get3A_55, %get3A_56] : memref<1024x128xf32, #tpu.memory_space<vmem>>, vector<1024x128xf32>
      %convert_element_type3A_58 = arith.truncf %get3A_57 : vector<1024x128xf32> to vector<1024x128xbf16>
      %dot_general3A_59 = arith.constant dense<0.000000e+00> : vector<1024x128xf32>
      %dot_general3A_60 = tpu.matmul %convert_element_type3A_54, %convert_element_type3A_58, %dot_general3A_59 {dimension_numbers = #tpu.dot_dimension_numbers<[0], [0], [1], [1], [0, 1, 1, 1], [], []>, transpose_lhs_hint = false} : vector<1024x1024xbf16>, vector<1024x128xbf16>, vector<1024x128xf32> -> vector<1024x128xf32>
      %convert_element_type3A_61 = arith.truncf %dot_general3A_60 : vector<1024x128xf32> to vector<1024x128xbf16>
      %swap3A_62 = arith.constant 0 : index
      %swap3A_63 = arith.constant 0 : index
      %swap3A_64 = vector.load %arg9[%swap3A_62, %swap3A_63] : memref<1024x128xbf16, #tpu.memory_space<vmem>>, vector<1024x128xbf16>
      tpu.vector_store %arg9[%swap3A_62, %swap3A_63], %convert_element_type3A_61 {strides = array<i32>} : memref<1024x128xbf16, #tpu.memory_space<vmem>>, vector<1024x128xbf16>,
    } else {
    }
    %mul3A = arith.constant 256 : i32
    %mul3A_2 = arith.muli %arg0, %mul3A : i32
    %get3A = arith.index_cast %mul3A_2 : i32 to index
    %get3A_3 = arith.constant 0 : index
    %get3A_4 = vector.load %arg9[%get3A, %get3A_3] : memref<1024x128xbf16, #tpu.memory_space<vmem>>, vector<256x128xbf16>
    %get3A_5 = arith.constant 0 : index
    %get3A_6 = arith.constant 0 : index
    %get3A_7 = vector.load %arg8[%get3A_5, %get3A_6] : memref<4096x128xbf16, #tpu.memory_space<vmem>>, vector<4096x128xbf16>
    %dot_general3A = arith.constant dense<0.000000e+00> : vector<256x4096xf32>
    %dot_general3A_8 = tpu.matmul %get3A_4, %get3A_7, %dot_general3A {dimension_numbers = #tpu.dot_dimension_numbers<[1], [1], [0], [0], [0, 0, 1, 0], [], []>, transpose_lhs_hint = false} : vector<256x128xbf16>, vector<4096x128xbf16>, vector<256x4096xf32> -> vector<256x4096xf32>
    %swap3A = arith.constant 0 : index
    %swap3A_9 = arith.constant 0 : index
    %swap3A_10 = vector.load %arg5[%swap3A, %swap3A_9] : memref<256x4096xf32, #tpu.memory_space<vmem>>, vector<256x4096xf32>
    tpu.vector_store %arg5[%swap3A, %swap3A_9], %dot_general3A_8 {strides = array<i32>} : memref<256x4096xf32, #tpu.memory_space<vmem>>, vector<256x4096xf32>,
    %mul3A_11 = arith.constant 1024 : i32
    %mul3A_12 = arith.muli %arg0, %mul3A_11 : i32
    %get3A_13 = arith.index_cast %mul3A_12 : i32 to index
    %get3A_14 = arith.constant 0 : index
    %get3A_15 = vector.load %arg8[%get3A_13, %get3A_14] : memref<4096x128xbf16, #tpu.memory_space<vmem>>, vector<1024x128xbf16>
    %swap3A_16 = arith.constant 0 : index
    %swap3A_17 = arith.constant 0 : index
    %swap3A_18 = vector.load %arg6[%swap3A_16, %swap3A_17] : memref<1024x128xbf16, #tpu.memory_space<vmem>>, vector<1024x128xbf16>
    tpu.vector_store %arg6[%swap3A_16, %swap3A_17], %get3A_15 {strides = array<i32>} : memref<1024x128xbf16, #tpu.memory_space<vmem>>, vector<1024x128xbf16>,
    return
  }
  func.func @transform_0(%arg0: i32) -> (i32, i32) {
    %c0_i32 = arith.constant 0 : i32
    %c0_i32_0 = arith.constant 0 : i32
    %c0_i32_1 = arith.constant 0 : i32
    return %c0_i32, %c0_i32_0 : i32, i32
  }
  func.func @transform_1(%arg0: i32) -> (i32, i32) {
    %c0_i32 = arith.constant 0 : i32
    %c0_i32_0 = arith.constant 0 : i32
    %c0_i32_1 = arith.constant 0 : i32
    return %c0_i32, %c0_i32_0 : i32, i32
  }
  func.func @transform_2(%arg0: i32) -> i32 {
    %c0_i32 = arith.constant 0 : i32
    %c0_i32_0 = arith.constant 0 : i32
    return %c0_i32 : i32
  }
  func.func @transform_3(%arg0: i32) -> i32 {
    %c0_i32 = arith.constant 0 : i32
    %c0_i32_0 = arith.constant 0 : i32
    return %c0_i32 : i32
  }
  func.func @transform_4(%arg0: i32) -> (i32, i32) {
    %add3A = arith.constant 12 : i32
    %add3A_0 = arith.addi %add3A, %arg0 : i32
    %c0_i32 = arith.constant 0 : i32
    %c0_i32_1 = arith.constant 0 : i32
    return %add3A_0, %c0_i32 : i32, i32
  }
  func.func @transform_5(%arg0: i32) -> (i32, i32) {
    %c0_i32 = arith.constant 0 : i32
    %c0_i32_0 = arith.constant 0 : i32
    return %arg0, %c0_i32 : i32, i32
  }
}

</mosaic_0001>

<sc_bundles>
// kernel: kernel.5.cloned.1.call-start
scs
__scs_entry_jumppad:
0x0: {  	(pc) =	sbr.rel $0x88, $3  }
0x1: {  	(tag) =	ssettag $0x0;
	lr =	simm.s32 $0x1  }
0x2: {  	[smem:$0x3F9D] =	sst lr;
	_ =	strace $0xD0000000  }
0x3: {  	_ = 	snop  }
0x4: {  	_ = 	snop  }
0x5: {  	_ = 	snop  }
0x6: {  	_ = 	snop  }
0x7: {  	_ = 	snop  }
__scs_overlays_trampoline_lowered:
0x8: {  	[smem:$0x3FAC] =	sst s0  }
0x9: {  	[smem:$0x3FAD] =	sst s1  }
0xa: {  	[smem:$0x3FAE] =	sst s2  }
0xb: {  	[smem:$0x3FAF] =	sst s3  }
0xc: {  	[smem:$0x3FB0] =	sst s4  }
0xd: {  	[smem:$0x3FB1] =	sst s5  }
0xe: {  	[smem:$0x3FB2] =	sst s6  }
0xf: {  	[smem:$0x3FB3] =	sst s7  }
0x10: {  	[smem:$0x3FB4] =	sst s8  }
0x11: {  	[smem:$0x3FB5] =	sst s9;
	s0 =	simm.s32 @!p0 $0x0  }
0x12: {  	s1 =	sld [smem:$0x3F9B];
	s0 =	simm.s32 @p0 $0x1  }
0x13: {  	[smem:$0x3FB6] =	sst s0;
	s0 =	simm.s32 @!p1 $0x0  }
0x14: {  	s2 =	sld [smem:$0x3F9A];
	s0 =	simm.s32 @p1 $0x1  }
0x15: {  	[smem:$0x3FB7] =	sst s0;
	s0 =	simm.s32 @!p2 $0x0  }
0x16: {  	s3 =	sld [smem:$0x3FDB];
	s0 =	simm.s32 @p2 $0x1  }
0x17: {  	s4 =	simm.s32 $0x1BF5;
	[smem:$0x3FB9] =	sst s0  }
0x18: {  	s0 =	sld [smem:$0x3F9C];
	_ =	swait.ge [sflag:s4], $0x0  }
0x19: {  	s7 =	sld [smem:$0x3F9D]  }
0x1a: {  	s8 =	sadd.s32 $0xFFFFE003, lr  }
0x1b: {  	s9 =	sadd.s32 $0xFFFFFEF7, lr;
	s5 =	simm.s32 $0xFFFFFFFF;
	p2 =	slt.u32 s8, $0xFFFFF086  }
0x1c: {  	p1 =	slt.u32 s9, $0xF7A;
	s5 =	simm.s32 @!p2 $0x0  }
0x1d: {  	s5 =	simm.s32 @p1 $0x1;
	p0 =	seq.s32 s7, s2  }
0x1e: {  	s7 =	smul.u32 @!p0 $0xF7A, s2;
	p2 =	seq.s32 @!p0 s5, $0x0  }
0x1f: {  	s9 =	smul.u32 $0xF7A, s1;
	s8 =	simm.s32 @!p0 $0x1BF5;
	p2 =	por !p2, p0  }
0x20: {  	[sflag:s8] =	ssyncset.s32 @!p0 $0xFFFFF086;
	s6 =	sadd.s32 @!p0 s3, s7;
	s7 =	simm.s32 @!p0 $0x108  }
0x21: {  	s3 =	sadd.s32 s3, s9;
	s6 =	sadd.s32 @!p0 $0x88, s6;
	s7 =	simm.s32 @p2 $0x1082  }
0x22: {  	[simem:s7], [sflag:s8] =	dma.local @!p0 [hbm:s6], $0xF7A  }
0x23: {  	s9 =	sor.u32 $0xD0000000, s2;
	s6 =	simm.s32 $0x108;
	_ =	swait.ge @!p0 [sflag:s8], $0x0  }
0x24: {  	s3 =	sadd.s32 $0x88, s3;
	s6 =	simm.s32 @!p1 $0x1082;
	[sflag:s4] =	ssyncset.s32 $0xFFFFF086  }
0x25: {  	[simem:s6], [sflag:s4] =	dma.local [hbm:s3], $0xF7A  }
0x26: {  	[smem:$0x3F9D] =	sst s1;
	(tag) =	ssettag s2;
	_ =	strace s9  }
0x27: {  	s1 =	sld [smem:$0x3FAD]  }
0x28: {  	s2 =	sld [smem:$0x3FAE]  }
0x29: {  	s4 =	sld [smem:$0x3FB0]  }
0x2a: {  	p0 =	seq.s32 s5, $0x0;
	s5 =	sld [smem:$0x3FB1]  }
0x2b: {  	s6 =	sld [smem:$0x3FB2]  }
0x2c: {  	s7 =	sld [smem:$0x3FB3]  }
0x2d: {  	s3 =	simm.s32 $0x108;
	s8 =	sld [smem:$0x3FB4]  }
0x2e: {  	s3 =	simm.s32 @!p0 $0x1082;
	s9 =	sld [smem:$0x3FB5]  }
0x2f: {  	lr =	sadd.s32 s0, s3;
	s0 =	sld [smem:$0x3FAC]  }
0x30: {  	s3 =	sld [smem:$0x3FAF]  }
0x31: {  	[smem:$0x3FB8] =	sst s10  }
0x32: {  	s10 =	sld [smem:$0x3FB6];
	_ =	sdelay $0x3  }
0x33: {  	p0 =	seq.s32 s10, $0x1;
	s10 =	sld [smem:$0x3FB8];
	_ =	sdelay $0x3  }
0x34: {  	[smem:$0x3FB8] =	sst s10  }
0x35: {  	s10 =	sld [smem:$0x3FB7];
	_ =	sdelay $0x3  }
0x36: {  	p1 =	seq.s32 s10, $0x1;
	s10 =	sld [smem:$0x3FB8];
	_ =	sdelay $0x3  }
0x37: {  	[smem:$0x3FB8] =	sst s10  }
0x38: {  	s10 =	sld [smem:$0x3FB9]  }
0x39: {  	_ = 	snop;
	(pc) =	sbr.ind lr, $3  }
0x3a: {  	_ = 	snop  }
0x3b: {  	_ = 	snop  }
0x3c: {  	p2 =	seq.s32 s10, $0x1;
	s10 =	sld [smem:$0x3FB8]  }
0x3d: {  	_ =	shalt  }
0x3e: {  	_ =	shalt  }
0x3f: {  	_ =	shalt  }
0x40: {  	_ =	shalt  }
0x41: {  	_ =	shalt  }
0x42: {  	_ =	shalt  }
0x43: {  	_ =	shalt  }
0x44: {  	_ =	shalt  }
0x45: {  	_ =	shalt  }
0x46: {  	_ =	shalt  }
0x47: {  	_ =	shalt  }
0x48: {  	_ =	shalt  }
0x49: {  	_ =	shalt  }
0x4a: {  	_ =	shalt  }
0x4b: {  	_ =	shalt  }
0x4c: {  	_ =	shalt  }
0x4d: {  	_ =	shalt  }
0x4e: {  	_ =	shalt  }
0x4f: {  	_ =	shalt  }
0x50: {  	_ =	shalt  }
0x51: {  	_ =	shalt  }
0x52: {  	_ =	shalt  }
0x53: {  	_ =	shalt  }
0x54: {  	_ =	shalt  }
0x55: {  	_ =	shalt  }
0x56: {  	_ =	shalt  }
0x57: {  	_ =	shalt  }
0x58: {  	_ =	shalt  }
0x59: {  	_ =	shalt  }
0x5a: {  	_ =	shalt  }
0x5b: {  	_ =	shalt  }
0x5c: {  	_ =	shalt  }
0x5d: {  	_ =	shalt  }
0x5e: {  	_ =	shalt  }
0x5f: {  	_ =	shalt  }
0x60: {  	_ =	shalt  }
0x61: {  	_ =	shalt  }
0x62: {  	_ =	shalt  }
0x63: {  	_ =	shalt  }
0x64: {  	_ =	shalt  }
0x65: {  	_ =	shalt  }
0x66: {  	_ =	shalt  }
0x67: {  	_ =	shalt  }
0x68: {  	_ =	shalt  }
0x69: {  	_ =	shalt  }
0x6a: {  	_ =	shalt  }
0x6b: {  	_ =	shalt  }
0x6c: {  	_ =	shalt  }
0x6d: {  	_ =	shalt  }
0x6e: {  	_ =	shalt  }
0x6f: {  	_ =	shalt  }
0x70: {  	_ =	shalt  }
0x71: {  	_ =	shalt  }
0x72: {  	_ =	shalt  }
0x73: {  	_ =	shalt  }
0x74: {  	_ =	shalt  }
0x75: {  	_ =	shalt  }
0x76: {  	_ =	shalt  }
0x77: {  	_ =	shalt  }
0x78: {  	_ =	shalt  }
0x79: {  	_ =	shalt  }
0x7a: {  	_ =	shalt  }
0x7b: {  	_ =	shalt  }
0x7c: {  	_ =	shalt  }
0x7d: {  	_ =	shalt  }
0x7e: {  	_ =	shalt  }
0x7f: {  	_ =	shalt  }
0x80: {  	_ =	shalt  }
0x81: {  	_ =	shalt  }
0x82: {  	_ =	shalt  }
0x83: {  	_ =	shalt  }
0x84: {  	_ =	shalt  }
0x85: {  	_ =	shalt  }
0x86: {  	_ =	shalt  }
0x87: {  	_ =	shalt  }
.Lfunc_end0:
.L_simem_size_0:
called_computation_lowered:
.L_overlay_start_0:
0x88: {  	s0 =	sld [smem:$0x3FD9]  }
0x89: {  	s1 =	sld [smem:$0x3FFE];
	_ =	sdelay $0x3  }
0x8a: {  	s0 =	sadd.s32 s1, s0  }
0x8b: {  	[smem:$0x3FC4] =	sst s0  }
0x8c: {  	_ = 	snop  }
0x8d: {  	s0 =	sld [smem:$0x3FC9]  }
0x8e: {  	s16 =	sld [smem:$0x3FC7];
	(tm) =	ssettm $0x1  }
0x8f: {  	s2 =	sld [smem:$0x3FFB];
	_ =	sdelay $0x3  }
0x90: {  	_ =	strace s2  }
0x91: {  	s2 =	sld [smem:$0x3FFC];
	_ =	sdelay $0x3  }
0x92: {  	_ =	strace s2  }
0x93: {  	s2 =	sld [smem:$0x3FFD];
	_ =	sdelay $0x3  }
0x94: {  	_ =	strace s2  }
0x95: {  	_ =	strace $0x8FFFFFFF  }
0x96: {  	s17 =	sld [smem:$0x3FDB];
	_ =	sdelay $0x1  }
0x97: {  	s3 =	simm.s32 $_scs_section_size  }
0x98: {  	s4 =	simm.s32 $_size__tile_overlayer_lowered;
	s5 =	simm.s32 $_tile_overlayer_lowered  }
0x99: {  	s20 =	simm.s32 $0x1BFF;
	s19 =	sshll.u32 s5, $0x1;
	s2 =	sadd.s32 s3, s17  }
0x9a: {  	s6 =	simm.s32 $0x0;
	s18 =	sshll.u32 s4, $0x1;
	s4 =	sadd.s32 s19, s2  }
0x9b: {  	[timem:s6], [sflag:s20] =	dma.local [hbm:s4], s18  }
0x9c: {  	_ =	swait.ge [sflag:s20], s18  }
0x9d: {  	s3 =	ssub.s32 $0x0, s18;
	[sflag:s20] =	ssyncset.done $0x0  }
0x9e: {  	[sflag:s20] =	ssyncadd.s32 s3;
	_ =	sdelay $0x1  }
0x9f: {  	s21 =	simm.s32 $0x1B8B  }
0xa0: {  	_ =	swait.ge [sflag:s21], $0x1  }
0xa1: {  	[sflag:s21] =	ssyncset.done $0x0  }
0xa2: {  	s23 =	simm.s32 $0x1B8E;
	s22 =	sld [smem:$0x3FFE];
	[sflag:s21] =	ssyncadd.s32 $0xFFFFFFFF  }
0xa3: {  	s24 =	simm.s32 $execute0_lowered;
	[smem:$0x3FD2] =	sst s23  }
0xa4: {  	s4 =	sshll.u32 s24, $0x1;
	_ =	strace $0x80000046;
	[dreg:$0x1] =	wrdreg $0xFFFFFFFF  }
0xa5: {  	s25 =	simm.s32 $_size_execute0_lowered;
	s2 =	sadd.s32 s2, s4;
	[dreg:$0x0] =	wrdreg $0x0  }
0xa6: {  	s4 =	sshll.u32 s25, $0x1;
	[dreg:$0x2] =	wrdreg s2  }
0xa7: {  	[dreg:$0x3] =	wrdreg s4  }
0xa8: {  	[dreg:$0x4] =	wrdreg $0xC0  }
0xa9: {  	_ =	task [dreg:s6], $0x5FFFF  }
0xaa: {  	[dreg:$0x1] =	wrdreg $0xFFFFFFFF  }
0xab: {  	[dreg:$0x0] =	wrdreg $0x60  }
0xac: {  	[dreg:$0x2] =	wrdreg s0  }
0xad: {  	[dreg:$0x3] =	wrdreg s16  }
0xae: {  	[dreg:$0x4] =	wrdreg s22  }
0xaf: {  	[dreg:$0x5] =	wrdreg $0x9  }
0xb0: {  	_ =	task.clear_ibuf [dreg:s6], $0x6FFFF;
	_ =	strace $0x90000046  }
0xb1: {  	s26 =	simm.s32 $0x9;
	_ =	strace $0x80000048  }
0xb2: {  	_ =	swait.ge [sflag:s26], $0x1  }
0xb3: {  	[sflag:s26] =	ssyncadd.s32 $0xFFFFFFFF  }
0xb4: {  	_ =	strace $0x90000048  }
0xb5: {  	_ =	sfence  }
0xb6: {  	s28 =	sld [smem:$0x0];
	_ =	sdelay $0x1  }
0xb7: {  	s29 =	srdreg.scid  }
0xb8: {  	s30 =	sshll.u32 s29, $0xD;
	s31 =	sshrl.u32 s29, $0x2  }
0xb9: {  	s1 =	sand.u32 $0x1, s29;
	s2 =	sand.u32 $0x4000, s30;
	s0 =	sadd.s32 s31, s28  }
0xba: {  	s1 =	sor.u32 s2, s1;
	s0 =	sshll.u32 s0, $0x11  }
0xbb: {  	s0 =	sor.u32 s0, s1  }
0xbc: {  	s0 =	sadd.s32 $0x8F2B, s0  }
0xbd: {  	[sflag:s0] =	ssyncadd.remote.s32 $0x1  }
0xbe: {  	_ =	sfence.sel $0xFFFF  }
0xbf: {  	[dreg:$0x0] =	wrdreg $0xFFFFFFFF;
	(pc) =	sbr.abs _section_cstart, $3  }
0xc0: {  	[dreg:$0x1] =	wrdreg $0xFFFFFFFF  }
0xc1: {  	_ =	task.clear_ibuf [dreg:s6], $0x2FFFF;
	_ =	strace $0x9FFFFFFF  }
0xc2: {  	(tm) =	ssettm $0x7FFFFFFF  }
0xc3: {  	_ =	shalt  }
tec
execute0_lowered:
.L_overlay_start_1:
0x0: {  	(tag) =	ssettag $0x1  }
0x1: {  	s0 =	rddreg [dreg:$0x0]  }
0x2: {  	s1 =	rddreg [dreg:$0x1]  }
0x3: {  	s2 =	rddreg [dreg:$0x2];
	s3 =	stileid.u32  }
0x4: {  	s4 =	rddreg [dreg:$0x3];
	s5 =	simm.s32 $0x0;
	s6 =	smul.u32 $0x18, s3  }
0x5: {  	[smem:$0x7FF] =	sst s5  }
0x6: {  	s28 =	simm.s32 $0x1;
	_ =	strace $0x80000047;
	s1 =	sadd.s32 s1, s6  }
0x7: {  	[tilespmem:s5], [sflag:$0x1] =	stream.linear.gather [hbm4b:s1+s5], $0xC0, $0x38;
	[tilespmem:$0x6100] =	vst v63  }
0x8: {  	_ =	swait.ge [sflag:s28], $0xC0  }
0x9: {  	s29 =	simm.s32 $0xC0;
	s7 =	simm.s32 $0x100;
	[sflag:s28] =	ssyncset.done $0x0  }
0xa: {  	s31 =	simm.s32 $0x2;
	s30 =	smul.u32 $0xC00, s3;
	[sflag:s28] =	ssyncadd.s32 $0xFFFFFF40  }
0xb: {  	[tilespmem:s7], [sflag:$0x2] =	stream.indirect.gather [hbm4b:s0+s29], $0x80, s5, s29, $0xb8;
	[tilespmem:$0x6100] =	vst v63  }
0xc: {  	_ =	swait.ge [sflag:s31], $0x6000  }
0xd: {  	s0 =	sadd.s32 s30, s2;
	[sflag:s31] =	ssyncset.done $0x0  }
0xe: {  	s0 =	sadd.s32 $0x1000, s0;
	[sflag:s31] =	ssyncadd.s32 $0xFFFFA000  }
0xf: {  	[hbm4b:s0+s5] =	stream.linear.scatter [tilespmem:s7], [sflag:$0x1], $0x6000, $0x38;
	[tilespmem:$0x6100] =	vst v63  }
0x10: {  	_ =	swait.ge [sflag:s28], $0x6000  }
0x11: {  	[sflag:s28] =	ssyncset.done $0x0  }
0x12: {  	[sflag:s28] =	ssyncadd.s32 $0xFFFFA000  }
0x13: {  	_ =	sfence.sel $0x180000  }
0x14: {  	[bflag:$0x0] =	sbarrier.arrive $0xFFFF  }
0x15: {  	p0 =	sne.s32 s3, $0x0;
	_ =	strace $0x90000047  }
0x16: {  	s0 =	sadd.s32 @!p0 $0x100000, s4;
	[bflag:$0x2] =	sbarrier.arrive $0xFFFF  }
0x17: {  	[sflag:s0] =	ssyncadd.tile.s32 @!p0 $0x1;
	_ =	shalt  }
.Lfunc_end2:
_tile_overlayer_lowered:
.L_overlay_start_2:
0x18: {  	(tag) =	ssettag $0x2  }
0x19: {  	s0 =	rddreg [dreg:$0x0];
	s2 =	stileid.u32  }
0x1a: {  	s1 =	rddreg [dreg:$0x1];
	p0 =	sne.s32 s2, $0x0  }
0x1b: {  	s3 =	rddreg [dreg:$0x2];
	[bflag:$0x3] =	sbarrier.arrive $0xFFFF;
	s2 =	simm.s32 @!p0 $0x1C03  }
0x1c: {  	[timem:s3], [sflag:s2] =	dma.local @!p0 [hbm:s0], s1  }
0x1d: {  	s0 =	simm.s32 @!p0 $0x3  }
0x1e: {  	_ =	swait.ge @!p0 [sflag:s0], s1  }
0x1f: {  	s1 =	ssub.s32 @!p0 $0x0, s1;
	[sflag:s0] =	ssyncset.done @!p0 $0x0  }
0x20: {  	[sflag:s0] =	ssyncadd.s32 @!p0 s1  }
0x21: {  	[bflag:$0x3] =	sbarrier.arrive $0xFFFF  }
0x22: {  	_ =	shalt  }

</sc_bundles>
